<compile_context>
chip_gen: v7x
topology: tpu7x:2x2x1
jax: 0.10.2.dev20260603
libtpu: 0.0.44.dev20260713+nightly
codegen_flags: <defaults>
</compile_context>

<pallas_src>
import functools

import jax
import jax.numpy as jnp
from jax import lax
from jax.experimental import pallas as pl
from jax.experimental.pallas import tpu as pltpu
from jax.experimental.pallas import tpu_sc as plsc

TOP_K = 8
BLOCK_T = 1024
N_EXP = 64
CH = 128


def _matmul_body(x_ref, wt_ref, lg_ref):
    lg_ref[...] = jax.lax.dot_general(
        x_ref[...], wt_ref[...],
        dimension_numbers=(((1,), (0,)), ((), ())),
        preferred_element_type=jnp.float32,
    )


def _keyify(v16, inv_iota16):
    bits = lax.bitcast_convert_type(v16, jnp.int32)
    skey = jnp.where(bits >= 0, bits, bits ^ jnp.int32(0x7FFFFFFF))
    return (skey & jnp.int32(~63)) | inv_iota16


def _sc_topk(lg_flat, tokens):
    NC, NS = 2, 16
    NW = NC * NS
    rows_w = tokens // NW
    mesh = plsc.VectorSubcoreMesh(core_axis_name="c", subcore_axis_name="s")

    @functools.partial(
        pl.kernel, mesh=mesh,
        compiler_params=pltpu.CompilerParams(needs_layout_passes=False),
        out_type=[
            jax.ShapeDtypeStruct((tokens * TOP_K,), jnp.float32),
            jax.ShapeDtypeStruct((tokens * TOP_K,), jnp.int32),
        ],
        scratch_types=[
            pltpu.VMEM((CH * N_EXP,), jnp.float32),
            pltpu.VMEM((64,), jnp.int32),
            pltpu.VMEM((CH * TOP_K,), jnp.float32),
            pltpu.VMEM((CH * TOP_K,), jnp.int32),
        ],
    )
    def k(lg_hbm, vals_hbm, idxs_hbm, buf, mrg, vout, iout):
        wid = lax.axis_index("s") * NC + lax.axis_index("c")
        base = wid * rows_w
        lane = lax.iota(jnp.int32, 16)
        invs = [jnp.int32(N_EXP - 1) - (lane + 16 * q) for q in range(4)]

        def chunk_body(c, carry):
            row0 = base + c * CH
            pltpu.sync_copy(lg_hbm.at[pl.ds(row0 * N_EXP, CH * N_EXP)], buf)

            def top8_keys(off):
                ks = [_keyify(buf[pl.ds(off + 16 * q, 16)], invs[q])
                      for q in range(4)]
                s0, _ = plsc.sort_key_val(ks[0], ks[0])
                s1, _ = plsc.sort_key_val(ks[1], ks[1], descending=True)
                mrg[pl.ds(0, 16)] = s0
                mrg[pl.ds(16, 16)] = s1
                m01, _ = plsc.sort_key_val(mrg[pl.ds(8, 16)],
                                           mrg[pl.ds(8, 16)])
                s2, _ = plsc.sort_key_val(ks[2], ks[2])
                s3, _ = plsc.sort_key_val(ks[3], ks[3], descending=True)
                mrg[pl.ds(0, 16)] = s2
                mrg[pl.ds(16, 16)] = s3
                m23, _ = plsc.sort_key_val(mrg[pl.ds(8, 16)], mrg[pl.ds(8, 16)],
                                           descending=True)
                mrg[pl.ds(0, 16)] = m01
                mrg[pl.ds(16, 16)] = m23
                fin, _ = plsc.sort_key_val(mrg[pl.ds(8, 16)], mrg[pl.ds(8, 16)],
                                           descending=True)
                return fin

            def pair_body(p, carry2):
                f0 = top8_keys(p * 2 * N_EXP)
                mrg[pl.ds(32, 16)] = f0
                f1 = top8_keys(p * 2 * N_EXP + N_EXP)
                mrg[pl.ds(40, 16)] = f1
                wk = mrg[pl.ds(32, 16)]
                st = wk & jnp.int32(~63)
                vb = jnp.where(st >= 0, st, st ^ jnp.int32(0x7FFFFFFF))
                vout[pl.ds(p * 16, 16)] = lax.bitcast_convert_type(
                    vb, jnp.float32)
                iout[pl.ds(p * 16, 16)] = (
                    jnp.int32(N_EXP - 1) - (wk & jnp.int32(63)))
                return carry2

            lax.fori_loop(0, CH // 2, pair_body, 0)
            pltpu.sync_copy(vout, vals_hbm.at[pl.ds(row0 * TOP_K, CH * TOP_K)])
            pltpu.sync_copy(iout, idxs_hbm.at[pl.ds(row0 * TOP_K, CH * TOP_K)])
            return carry

        lax.fori_loop(0, rows_w // CH, chunk_body, 0)

    return k(lg_flat)


@jax.jit
def kernel(x, w_g):
    tokens, d = x.shape
    n_exp = w_g.shape[0]
    wt = w_g.T
    logits = pl.pallas_call(
        _matmul_body,
        grid=(tokens // BLOCK_T,),
        in_specs=[
            pl.BlockSpec((BLOCK_T, d), lambda i: (i, 0)),
            pl.BlockSpec((d, n_exp), lambda i: (0, 0)),
        ],
        out_specs=pl.BlockSpec((BLOCK_T, n_exp), lambda i: (i, 0)),
        out_shape=jax.ShapeDtypeStruct((tokens, n_exp), jnp.float32),
        compiler_params=pltpu.CompilerParams(
            dimension_semantics=("arbitrary",),
        ),
    )(x, wt)
    vals_flat, idxs_flat = _sc_topk(logits.reshape(-1), tokens)
    return (vals_flat.reshape(tokens, TOP_K), idxs_flat.reshape(tokens, TOP_K))

# --- scband reference (transcript-rebuilt; emitter-appended) ---
"""Pipeline reference for scband-basic-softmax-router-72146860638552 (READ-ONLY COPY).

The authoritative reference and input builder live on the scoring server;
editing this copy changes nothing except your own understanding.
"""

import jax, jax.numpy as jnp
import numpy as np

D = 4096
N_EXP = 64
TOP_K = 8
TOKENS = 32768

def setup_inputs(seed: int = 0) -> dict:
    key = jax.random.key(seed)
    k1, k2 = jax.random.split(key)
    x = jax.random.normal(k1, (TOKENS, D), dtype=jnp.float32)
    # nn.Linear(d, n_exp, bias=False) weight has shape [n_exp, d]
    w_g = jax.random.normal(k2, (N_EXP, D), dtype=jnp.float32) * (1.0 / np.sqrt(D))
    return {"x": x, "w_g": w_g}

def reference(x, w_g):
    # logits = self.w_g(x)  (use_noisy_top_k=False, so no noise branch)
    logits = x @ w_g.T
    # top_k over the expert dimension (last dim)
    top_k_logits, top_k_indices = jax.lax.top_k(logits, TOP_K)
    return (top_k_logits, top_k_indices)

if __name__ == "__main__":
    import jax
    _d = setup_inputs()
    print(jax.jit(kernel)(*tuple(_d.values())))

</pallas_src>

<mosaic_0001>
#map = affine_map<(d0, d1) -> (0)>
module attributes {stable_mosaic.version = 14 : i64} {
  func.func @k(%arg0: i32, %arg1: i32, %arg2: memref<2097152xf32, #tpu.memory_space<hbm>>, %arg3: memref<262144xf32, #tpu.memory_space<hbm>>, %arg4: memref<262144xi32, #tpu.memory_space<hbm>>, %arg5: memref<8192xf32, #tpu.memory_space<vmem>>, %arg6: memref<64xi32, #tpu.memory_space<vmem>>, %arg7: memref<1024xf32, #tpu.memory_space<vmem>>, %arg8: memref<1024xi32, #tpu.memory_space<vmem>>) attributes {dimension_semantics = [#tpu.dimension_semantics<core_parallel>, #tpu.dimension_semantics<subcore_parallel>], iteration_bounds = array<i64: 2, 16>, scalar_prefetch = 0 : i64, scratch_operands = 4 : i64, tpu.core_type = #tpu.core_type<sc_vector_subcore>, window_params = [{transform_indices = #map}, {transform_indices = #map}, {transform_indices = #map}]} {
    %mul3A = arith.constant 2 : i32
    %mul3A_0 = arith.muli %arg1, %mul3A : i32
    %add3A = arith.addi %mul3A_0, %arg0 : i32
    %mul3A_1 = arith.constant 1024 : i32
    %mul3A_2 = arith.muli %add3A, %mul3A_1 : i32
    %iota3A = tpu.iota {dimensions = array<i32: 0>} : vector<16xi32>
    %add3A_3 = arith.constant 0 : i32
    %add3A_4 = vector.broadcast %add3A_3 : i32 to vector<16xi32>
    %add3A_5 = arith.addi %iota3A, %add3A_4 : vector<16xi32>
    %sub3A = arith.constant 63 : i32
    %sub3A_6 = vector.broadcast %sub3A : i32 to vector<16xi32>
    %sub3A_7 = arith.subi %sub3A_6, %add3A_5 : vector<16xi32>
    %add3A_8 = arith.constant 16 : i32
    %add3A_9 = vector.broadcast %add3A_8 : i32 to vector<16xi32>
    %add3A_10 = arith.addi %iota3A, %add3A_9 : vector<16xi32>
    %sub3A_11 = arith.constant 63 : i32
    %sub3A_12 = vector.broadcast %sub3A_11 : i32 to vector<16xi32>
    %sub3A_13 = arith.subi %sub3A_12, %add3A_10 : vector<16xi32>
    %add3A_14 = arith.constant 32 : i32
    %add3A_15 = vector.broadcast %add3A_14 : i32 to vector<16xi32>
    %add3A_16 = arith.addi %iota3A, %add3A_15 : vector<16xi32>
    %sub3A_17 = arith.constant 63 : i32
    %sub3A_18 = vector.broadcast %sub3A_17 : i32 to vector<16xi32>
    %sub3A_19 = arith.subi %sub3A_18, %add3A_16 : vector<16xi32>
    %add3A_20 = arith.constant 48 : i32
    %add3A_21 = vector.broadcast %add3A_20 : i32 to vector<16xi32>
    %add3A_22 = arith.addi %iota3A, %add3A_21 : vector<16xi32>
    %sub3A_23 = arith.constant 63 : i32
    %sub3A_24 = vector.broadcast %sub3A_23 : i32 to vector<16xi32>
    %sub3A_25 = arith.subi %sub3A_24, %add3A_22 : vector<16xi32>
    %scan3A = arith.constant 0 : i32
    %scan3A_26 = arith.constant 0 : i32
    %scan3A_27 = arith.constant 8 : i32
    %scan3A_28 = arith.addi %scan3A_26, %scan3A_27 : i32
    %scan3A_29 = arith.constant 1 : i32
    scf.for %scan3A_31 = %scan3A_26 to %scan3A_28 step %scan3A_29  : i32 {
      %mul3A_32 = arith.constant 128 : i32
      %mul3A_33 = arith.muli %scan3A_31, %mul3A_32 : i32
      %add3A_34 = arith.addi %mul3A_2, %mul3A_33 : i32
      %mul3A_35 = arith.constant 64 : i32
      %mul3A_36 = arith.muli %add3A_34, %mul3A_35 : i32
      "tpu.region"() ({
        %run_scoped3A = tpu.sem_alloc : memref<!tpu.dma_semaphore, #tpu.memory_space<semaphore_mem>>
        %dma_start3A = tpu.memref_slice %arg2[%mul3A_36] : memref<2097152xf32, #tpu.memory_space<hbm>> -> memref<8192xf32, #tpu.memory_space<hbm>>
        %dma_start3A_47 = tpu.memref_slice %arg2[%mul3A_36] : memref<2097152xf32, #tpu.memory_space<hbm>> -> memref<8192xf32, #tpu.memory_space<hbm>>
        tpu.enqueue_dma source(%dma_start3A_47 : memref<8192xf32, #tpu.memory_space<hbm>>) target(%arg5 : memref<8192xf32, #tpu.memory_space<vmem>>) target_semaphore(%run_scoped3A : memref<!tpu.dma_semaphore, #tpu.memory_space<semaphore_mem>>)
        %dma_wait3A = tpu.memref_slice %arg2[%mul3A_36] : memref<2097152xf32, #tpu.memory_space<hbm>> -> memref<8192xf32, #tpu.memory_space<hbm>>
        %dma_wait3A_48 = tpu.memref_slice %arg2[%mul3A_36] : memref<2097152xf32, #tpu.memory_space<hbm>> -> memref<8192xf32, #tpu.memory_space<hbm>>
        tpu.wait_dma2 semaphore(%run_scoped3A : memref<!tpu.dma_semaphore, #tpu.memory_space<semaphore_mem>>) src(%dma_wait3A_48 : memref<8192xf32, #tpu.memory_space<hbm>>) dst(%arg5 : memref<8192xf32, #tpu.memory_space<vmem>>)
        tpu.yield
      }) : () -> ()
      %scan3A_37 = arith.constant 0 : i32
      %scan3A_38 = arith.constant 0 : i32
      %scan3A_39 = arith.constant 64 : i32
      %scan3A_40 = arith.addi %scan3A_38, %scan3A_39 : i32
      %scan3A_41 = arith.constant 1 : i32
      scf.for %scan3A_47 = %scan3A_38 to %scan3A_40 step %scan3A_41  : i32 {
        %mul3A_48 = arith.constant 2 : i32
        %mul3A_49 = arith.muli %scan3A_47, %mul3A_48 : i32
        %mul3A_50 = arith.constant 64 : i32
        %mul3A_51 = arith.muli %mul3A_49, %mul3A_50 : i32
        %add3A_52 = arith.constant 0 : i32
        %add3A_53 = arith.addi %mul3A_51, %add3A_52 : i32
        %get3A = arith.index_cast %add3A_53 : i32 to index
        %get3A_54 = tpu.vector_load %arg5[%get3A] {strides = array<i32>} : memref<8192xf32, #tpu.memory_space<vmem>>, vector<16xf32>,
        %bitcast_convert_type3A = tpu.bitcast %get3A_54 : vector<16xf32> -> vector<16xi32>
        %ge3A = arith.constant 0 : i32
        %ge3A_55 = vector.broadcast %ge3A : i32 to vector<16xi32>
        %ge3A_56 = arith.cmpi sge, %bitcast_convert_type3A, %ge3A_55 : vector<16xi32>
        %xor3A = arith.constant 2147483647 : i32
        %xor3A_57 = vector.broadcast %xor3A : i32 to vector<16xi32>
        %xor3A_58 = arith.xori %bitcast_convert_type3A, %xor3A_57 : vector<16xi32>
        %select_n3A = arith.select %ge3A_56, %bitcast_convert_type3A, %xor3A_58 : vector<16xi1>, vector<16xi32>
        %and3A = arith.constant -64 : i32
        %and3A_59 = vector.broadcast %and3A : i32 to vector<16xi32>
        %and3A_60 = arith.andi %select_n3A, %and3A_59 : vector<16xi32>
        %or3A = arith.ori %and3A_60, %sub3A_7 : vector<16xi32>
        %add3A_61 = arith.constant 16 : i32
        %add3A_62 = arith.addi %mul3A_51, %add3A_61 : i32
        %get3A_63 = arith.index_cast %add3A_62 : i32 to index
        %get3A_64 = tpu.vector_load %arg5[%get3A_63] {strides = array<i32>} : memref<8192xf32, #tpu.memory_space<vmem>>, vector<16xf32>,
        %bitcast_convert_type3A_65 = tpu.bitcast %get3A_64 : vector<16xf32> -> vector<16xi32>
        %ge3A_66 = arith.constant 0 : i32
        %ge3A_67 = vector.broadcast %ge3A_66 : i32 to vector<16xi32>
        %ge3A_68 = arith.cmpi sge, %bitcast_convert_type3A_65, %ge3A_67 : vector<16xi32>
        %xor3A_69 = arith.constant 2147483647 : i32
        %xor3A_70 = vector.broadcast %xor3A_69 : i32 to vector<16xi32>
        %xor3A_71 = arith.xori %bitcast_convert_type3A_65, %xor3A_70 : vector<16xi32>
        %select_n3A_72 = arith.select %ge3A_68, %bitcast_convert_type3A_65, %xor3A_71 : vector<16xi1>, vector<16xi32>
        %and3A_73 = arith.constant -64 : i32
        %and3A_74 = vector.broadcast %and3A_73 : i32 to vector<16xi32>
        %and3A_75 = arith.andi %select_n3A_72, %and3A_74 : vector<16xi32>
        %or3A_76 = arith.ori %and3A_75, %sub3A_13 : vector<16xi32>
        %add3A_77 = arith.constant 32 : i32
        %add3A_78 = arith.addi %mul3A_51, %add3A_77 : i32
        %get3A_79 = arith.index_cast %add3A_78 : i32 to index
        %get3A_80 = tpu.vector_load %arg5[%get3A_79] {strides = array<i32>} : memref<8192xf32, #tpu.memory_space<vmem>>, vector<16xf32>,
        %bitcast_convert_type3A_81 = tpu.bitcast %get3A_80 : vector<16xf32> -> vector<16xi32>
        %ge3A_82 = arith.constant 0 : i32
        %ge3A_83 = vector.broadcast %ge3A_82 : i32 to vector<16xi32>
        %ge3A_84 = arith.cmpi sge, %bitcast_convert_type3A_81, %ge3A_83 : vector<16xi32>
        %xor3A_85 = arith.constant 2147483647 : i32
        %xor3A_86 = vector.broadcast %xor3A_85 : i32 to vector<16xi32>
        %xor3A_87 = arith.xori %bitcast_convert_type3A_81, %xor3A_86 : vector<16xi32>
        %select_n3A_88 = arith.select %ge3A_84, %bitcast_convert_type3A_81, %xor3A_87 : vector<16xi1>, vector<16xi32>
        %and3A_89 = arith.constant -64 : i32
        %and3A_90 = vector.broadcast %and3A_89 : i32 to vector<16xi32>
        %and3A_91 = arith.andi %select_n3A_88, %and3A_90 : vector<16xi32>
        %or3A_92 = arith.ori %and3A_91, %sub3A_19 : vector<16xi32>
        %add3A_93 = arith.constant 48 : i32
        %add3A_94 = arith.addi %mul3A_51, %add3A_93 : i32
        %get3A_95 = arith.index_cast %add3A_94 : i32 to index
        %get3A_96 = tpu.vector_load %arg5[%get3A_95] {strides = array<i32>} : memref<8192xf32, #tpu.memory_space<vmem>>, vector<16xf32>,
        %bitcast_convert_type3A_97 = tpu.bitcast %get3A_96 : vector<16xf32> -> vector<16xi32>
        %ge3A_98 = arith.constant 0 : i32
        %ge3A_99 = vector.broadcast %ge3A_98 : i32 to vector<16xi32>
        %ge3A_100 = arith.cmpi sge, %bitcast_convert_type3A_97, %ge3A_99 : vector<16xi32>
        %xor3A_101 = arith.constant 2147483647 : i32
        %xor3A_102 = vector.broadcast %xor3A_101 : i32 to vector<16xi32>
        %xor3A_103 = arith.xori %bitcast_convert_type3A_97, %xor3A_102 : vector<16xi32>
        %select_n3A_104 = arith.select %ge3A_100, %bitcast_convert_type3A_97, %xor3A_103 : vector<16xi1>, vector<16xi32>
        %and3A_105 = arith.constant -64 : i32
        %and3A_106 = vector.broadcast %and3A_105 : i32 to vector<16xi32>
        %and3A_107 = arith.andi %select_n3A_104, %and3A_106 : vector<16xi32>
        %or3A_108 = arith.ori %and3A_107, %sub3A_25 : vector<16xi32>
        %masked_sort3A = arith.constant dense<true> : vector<16xi1>
        %masked_sort3A_109 = arith.constant -2147483648 : i32
        %masked_sort3A_110 = vector.broadcast %masked_sort3A_109 : i32 to vector<16xi32>
        %masked_sort3A_111 = arith.xori %or3A, %masked_sort3A_110 : vector<16xi32>
        %masked_sort3A_112, %masked_sort3A_113, %masked_sort3A_114 = tpu.sort %masked_sort3A_111, %or3A masked %masked_sort3A : (vector<16xi32>, vector<16xi32>, vector<16xi1>) -> (vector<16xi1>, vector<16xi32>, vector<16xi32>)
        %masked_sort3A_115 = arith.xori %masked_sort3A_113, %masked_sort3A_110 : vector<16xi32>
        %masked_sort3A_116 = arith.constant dense<true> : vector<16xi1>
        %masked_sort3A_117 = arith.constant -2147483648 : i32
        %masked_sort3A_118 = vector.broadcast %masked_sort3A_117 : i32 to vector<16xi32>
        %masked_sort3A_119 = arith.xori %or3A_76, %masked_sort3A_118 : vector<16xi32>
        %masked_sort3A_120, %masked_sort3A_121, %masked_sort3A_122 = tpu.sort %masked_sort3A_119, %or3A_76 masked %masked_sort3A_116 {descending = true} : (vector<16xi32>, vector<16xi32>, vector<16xi1>) -> (vector<16xi1>, vector<16xi32>, vector<16xi32>)
        %masked_sort3A_123 = arith.xori %masked_sort3A_121, %masked_sort3A_118 : vector<16xi32>
        %swap3A = arith.constant 0 : index
        %swap3A_124 = tpu.vector_load %arg6[%swap3A] {strides = array<i32>} : memref<64xi32, #tpu.memory_space<vmem>>, vector<16xi32>,
        tpu.vector_store %arg6[%swap3A], %masked_sort3A_115 {strides = array<i32>} : memref<64xi32, #tpu.memory_space<vmem>>, vector<16xi32>,
        %swap3A_125 = arith.constant 16 : index
        %swap3A_126 = tpu.vector_load %arg6[%swap3A_125] {strides = array<i32>} : memref<64xi32, #tpu.memory_space<vmem>>, vector<16xi32>,
        tpu.vector_store %arg6[%swap3A_125], %masked_sort3A_123 {strides = array<i32>} : memref<64xi32, #tpu.memory_space<vmem>>, vector<16xi32>,
        %get3A_127 = arith.constant 8 : index
        %get3A_128 = tpu.vector_load %arg6[%get3A_127] {strides = array<i32>} : memref<64xi32, #tpu.memory_space<vmem>>, vector<16xi32>,
        %get3A_129 = arith.constant 8 : index
        %get3A_130 = tpu.vector_load %arg6[%get3A_129] {strides = array<i32>} : memref<64xi32, #tpu.memory_space<vmem>>, vector<16xi32>,
        %masked_sort3A_131 = arith.constant dense<true> : vector<16xi1>
        %masked_sort3A_132 = arith.constant -2147483648 : i32
        %masked_sort3A_133 = vector.broadcast %masked_sort3A_132 : i32 to vector<16xi32>
        %masked_sort3A_134 = arith.xori %get3A_128, %masked_sort3A_133 : vector<16xi32>
        %masked_sort3A_135, %masked_sort3A_136, %masked_sort3A_137 = tpu.sort %masked_sort3A_134, %get3A_130 masked %masked_sort3A_131 : (vector<16xi32>, vector<16xi32>, vector<16xi1>) -> (vector<16xi1>, vector<16xi32>, vector<16xi32>)
        %masked_sort3A_138 = arith.xori %masked_sort3A_136, %masked_sort3A_133 : vector<16xi32>
        %masked_sort3A_139 = arith.constant dense<true> : vector<16xi1>
        %masked_sort3A_140 = arith.constant -2147483648 : i32
        %masked_sort3A_141 = vector.broadcast %masked_sort3A_140 : i32 to vector<16xi32>
        %masked_sort3A_142 = arith.xori %or3A_92, %masked_sort3A_141 : vector<16xi32>
        %masked_sort3A_143, %masked_sort3A_144, %masked_sort3A_145 = tpu.sort %masked_sort3A_142, %or3A_92 masked %masked_sort3A_139 : (vector<16xi32>, vector<16xi32>, vector<16xi1>) -> (vector<16xi1>, vector<16xi32>, vector<16xi32>)
        %masked_sort3A_146 = arith.xori %masked_sort3A_144, %masked_sort3A_141 : vector<16xi32>
        %masked_sort3A_147 = arith.constant dense<true> : vector<16xi1>
        %masked_sort3A_148 = arith.constant -2147483648 : i32
        %masked_sort3A_149 = vector.broadcast %masked_sort3A_148 : i32 to vector<16xi32>
        %masked_sort3A_150 = arith.xori %or3A_108, %masked_sort3A_149 : vector<16xi32>
        %masked_sort3A_151, %masked_sort3A_152, %masked_sort3A_153 = tpu.sort %masked_sort3A_150, %or3A_108 masked %masked_sort3A_147 {descending = true} : (vector<16xi32>, vector<16xi32>, vector<16xi1>) -> (vector<16xi1>, vector<16xi32>, vector<16xi32>)
        %masked_sort3A_154 = arith.xori %masked_sort3A_152, %masked_sort3A_149 : vector<16xi32>
        %swap3A_155 = arith.constant 0 : index
        %swap3A_156 = tpu.vector_load %arg6[%swap3A_155] {strides = array<i32>} : memref<64xi32, #tpu.memory_space<vmem>>, vector<16xi32>,
        tpu.vector_store %arg6[%swap3A_155], %masked_sort3A_146 {strides = array<i32>} : memref<64xi32, #tpu.memory_space<vmem>>, vector<16xi32>,
        %swap3A_157 = arith.constant 16 : index
        %swap3A_158 = tpu.vector_load %arg6[%swap3A_157] {strides = array<i32>} : memref<64xi32, #tpu.memory_space<vmem>>, vector<16xi32>,
        tpu.vector_store %arg6[%swap3A_157], %masked_sort3A_154 {strides = array<i32>} : memref<64xi32, #tpu.memory_space<vmem>>, vector<16xi32>,
        %get3A_159 = arith.constant 8 : index
        %get3A_160 = tpu.vector_load %arg6[%get3A_159] {strides = array<i32>} : memref<64xi32, #tpu.memory_space<vmem>>, vector<16xi32>,
        %get3A_161 = arith.constant 8 : index
        %get3A_162 = tpu.vector_load %arg6[%get3A_161] {strides = array<i32>} : memref<64xi32, #tpu.memory_space<vmem>>, vector<16xi32>,
        %masked_sort3A_163 = arith.constant dense<true> : vector<16xi1>
        %masked_sort3A_164 = arith.constant -2147483648 : i32
        %masked_sort3A_165 = vector.broadcast %masked_sort3A_164 : i32 to vector<16xi32>
        %masked_sort3A_166 = arith.xori %get3A_160, %masked_sort3A_165 : vector<16xi32>
        %masked_sort3A_167, %masked_sort3A_168, %masked_sort3A_169 = tpu.sort %masked_sort3A_166, %get3A_162 masked %masked_sort3A_163 {descending = true} : (vector<16xi32>, vector<16xi32>, vector<16xi1>) -> (vector<16xi1>, vector<16xi32>, vector<16xi32>)
        %masked_sort3A_170 = arith.xori %masked_sort3A_168, %masked_sort3A_165 : vector<16xi32>
        %swap3A_171 = arith.constant 0 : index
        %swap3A_172 = tpu.vector_load %arg6[%swap3A_171] {strides = array<i32>} : memref<64xi32, #tpu.memory_space<vmem>>, vector<16xi32>,
        tpu.vector_store %arg6[%swap3A_171], %masked_sort3A_138 {strides = array<i32>} : memref<64xi32, #tpu.memory_space<vmem>>, vector<16xi32>,
        %swap3A_173 = arith.constant 16 : index
        %swap3A_174 = tpu.vector_load %arg6[%swap3A_173] {strides = array<i32>} : memref<64xi32, #tpu.memory_space<vmem>>, vector<16xi32>,
        tpu.vector_store %arg6[%swap3A_173], %masked_sort3A_170 {strides = array<i32>} : memref<64xi32, #tpu.memory_space<vmem>>, vector<16xi32>,
        %get3A_175 = arith.constant 8 : index
        %get3A_176 = tpu.vector_load %arg6[%get3A_175] {strides = array<i32>} : memref<64xi32, #tpu.memory_space<vmem>>, vector<16xi32>,
        %get3A_177 = arith.constant 8 : index
        %get3A_178 = tpu.vector_load %arg6[%get3A_177] {strides = array<i32>} : memref<64xi32, #tpu.memory_space<vmem>>, vector<16xi32>,
        %masked_sort3A_179 = arith.constant dense<true> : vector<16xi1>
        %masked_sort3A_180 = arith.constant -2147483648 : i32
        %masked_sort3A_181 = vector.broadcast %masked_sort3A_180 : i32 to vector<16xi32>
        %masked_sort3A_182 = arith.xori %get3A_176, %masked_sort3A_181 : vector<16xi32>
        %masked_sort3A_183, %masked_sort3A_184, %masked_sort3A_185 = tpu.sort %masked_sort3A_182, %get3A_178 masked %masked_sort3A_179 {descending = true} : (vector<16xi32>, vector<16xi32>, vector<16xi1>) -> (vector<16xi1>, vector<16xi32>, vector<16xi32>)
        %masked_sort3A_186 = arith.xori %masked_sort3A_184, %masked_sort3A_181 : vector<16xi32>
        %swap3A_187 = arith.constant 32 : index
        %swap3A_188 = tpu.vector_load %arg6[%swap3A_187] {strides = array<i32>} : memref<64xi32, #tpu.memory_space<vmem>>, vector<16xi32>,
        tpu.vector_store %arg6[%swap3A_187], %masked_sort3A_186 {strides = array<i32>} : memref<64xi32, #tpu.memory_space<vmem>>, vector<16xi32>,
        %mul3A_189 = arith.constant 2 : i32
        %mul3A_190 = arith.muli %scan3A_47, %mul3A_189 : i32
        %mul3A_191 = arith.constant 64 : i32
        %mul3A_192 = arith.muli %mul3A_190, %mul3A_191 : i32
        %add3A_193 = arith.constant 64 : i32
        %add3A_194 = arith.addi %mul3A_192, %add3A_193 : i32
        %add3A_195 = arith.constant 0 : i32
        %add3A_196 = arith.addi %add3A_194, %add3A_195 : i32
        %get3A_197 = arith.index_cast %add3A_196 : i32 to index
        %get3A_198 = tpu.vector_load %arg5[%get3A_197] {strides = array<i32>} : memref<8192xf32, #tpu.memory_space<vmem>>, vector<16xf32>,
        %bitcast_convert_type3A_199 = tpu.bitcast %get3A_198 : vector<16xf32> -> vector<16xi32>
        %ge3A_200 = arith.constant 0 : i32
        %ge3A_201 = vector.broadcast %ge3A_200 : i32 to vector<16xi32>
        %ge3A_202 = arith.cmpi sge, %bitcast_convert_type3A_199, %ge3A_201 : vector<16xi32>
        %xor3A_203 = arith.constant 2147483647 : i32
        %xor3A_204 = vector.broadcast %xor3A_203 : i32 to vector<16xi32>
        %xor3A_205 = arith.xori %bitcast_convert_type3A_199, %xor3A_204 : vector<16xi32>
        %select_n3A_206 = arith.select %ge3A_202, %bitcast_convert_type3A_199, %xor3A_205 : vector<16xi1>, vector<16xi32>
        %and3A_207 = arith.constant -64 : i32
        %and3A_208 = vector.broadcast %and3A_207 : i32 to vector<16xi32>
        %and3A_209 = arith.andi %select_n3A_206, %and3A_208 : vector<16xi32>
        %or3A_210 = arith.ori %and3A_209, %sub3A_7 : vector<16xi32>
        %add3A_211 = arith.constant 16 : i32
        %add3A_212 = arith.addi %add3A_194, %add3A_211 : i32
        %get3A_213 = arith.index_cast %add3A_212 : i32 to index
        %get3A_214 = tpu.vector_load %arg5[%get3A_213] {strides = array<i32>} : memref<8192xf32, #tpu.memory_space<vmem>>, vector<16xf32>,
        %bitcast_convert_type3A_215 = tpu.bitcast %get3A_214 : vector<16xf32> -> vector<16xi32>
        %ge3A_216 = arith.constant 0 : i32
        %ge3A_217 = vector.broadcast %ge3A_216 : i32 to vector<16xi32>
        %ge3A_218 = arith.cmpi sge, %bitcast_convert_type3A_215, %ge3A_217 : vector<16xi32>
        %xor3A_219 = arith.constant 2147483647 : i32
        %xor3A_220 = vector.broadcast %xor3A_219 : i32 to vector<16xi32>
        %xor3A_221 = arith.xori %bitcast_convert_type3A_215, %xor3A_220 : vector<16xi32>
        %select_n3A_222 = arith.select %ge3A_218, %bitcast_convert_type3A_215, %xor3A_221 : vector<16xi1>, vector<16xi32>
        %and3A_223 = arith.constant -64 : i32
        %and3A_224 = vector.broadcast %and3A_223 : i32 to vector<16xi32>
        %and3A_225 = arith.andi %select_n3A_222, %and3A_224 : vector<16xi32>
        %or3A_226 = arith.ori %and3A_225, %sub3A_13 : vector<16xi32>
        %add3A_227 = arith.constant 32 : i32
        %add3A_228 = arith.addi %add3A_194, %add3A_227 : i32
        %get3A_229 = arith.index_cast %add3A_228 : i32 to index
        %get3A_230 = tpu.vector_load %arg5[%get3A_229] {strides = array<i32>} : memref<8192xf32, #tpu.memory_space<vmem>>, vector<16xf32>,
        %bitcast_convert_type3A_231 = tpu.bitcast %get3A_230 : vector<16xf32> -> vector<16xi32>
        %ge3A_232 = arith.constant 0 : i32
        %ge3A_233 = vector.broadcast %ge3A_232 : i32 to vector<16xi32>
        %ge3A_234 = arith.cmpi sge, %bitcast_convert_type3A_231, %ge3A_233 : vector<16xi32>
        %xor3A_235 = arith.constant 2147483647 : i32
        %xor3A_236 = vector.broadcast %xor3A_235 : i32 to vector<16xi32>
        %xor3A_237 = arith.xori %bitcast_convert_type3A_231, %xor3A_236 : vector<16xi32>
        %select_n3A_238 = arith.select %ge3A_234, %bitcast_convert_type3A_231, %xor3A_237 : vector<16xi1>, vector<16xi32>
        %and3A_239 = arith.constant -64 : i32
        %and3A_240 = vector.broadcast %and3A_239 : i32 to vector<16xi32>
        %and3A_241 = arith.andi %select_n3A_238, %and3A_240 : vector<16xi32>
        %or3A_242 = arith.ori %and3A_241, %sub3A_19 : vector<16xi32>
        %add3A_243 = arith.constant 48 : i32
        %add3A_244 = arith.addi %add3A_194, %add3A_243 : i32
        %get3A_245 = arith.index_cast %add3A_244 : i32 to index
        %get3A_246 = tpu.vector_load %arg5[%get3A_245] {strides = array<i32>} : memref<8192xf32, #tpu.memory_space<vmem>>, vector<16xf32>,
        %bitcast_convert_type3A_247 = tpu.bitcast %get3A_246 : vector<16xf32> -> vector<16xi32>
        %ge3A_248 = arith.constant 0 : i32
        %ge3A_249 = vector.broadcast %ge3A_248 : i32 to vector<16xi32>
        %ge3A_250 = arith.cmpi sge, %bitcast_convert_type3A_247, %ge3A_249 : vector<16xi32>
        %xor3A_251 = arith.constant 2147483647 : i32
        %xor3A_252 = vector.broadcast %xor3A_251 : i32 to vector<16xi32>
        %xor3A_253 = arith.xori %bitcast_convert_type3A_247, %xor3A_252 : vector<16xi32>
        %select_n3A_254 = arith.select %ge3A_250, %bitcast_convert_type3A_247, %xor3A_253 : vector<16xi1>, vector<16xi32>
        %and3A_255 = arith.constant -64 : i32
        %and3A_256 = vector.broadcast %and3A_255 : i32 to vector<16xi32>
        %and3A_257 = arith.andi %select_n3A_254, %and3A_256 : vector<16xi32>
        %or3A_258 = arith.ori %and3A_257, %sub3A_25 : vector<16xi32>
        %masked_sort3A_259 = arith.constant dense<true> : vector<16xi1>
        %masked_sort3A_260 = arith.constant -2147483648 : i32
        %masked_sort3A_261 = vector.broadcast %masked_sort3A_260 : i32 to vector<16xi32>
        %masked_sort3A_262 = arith.xori %or3A_210, %masked_sort3A_261 : vector<16xi32>
        %masked_sort3A_263, %masked_sort3A_264, %masked_sort3A_265 = tpu.sort %masked_sort3A_262, %or3A_210 masked %masked_sort3A_259 : (vector<16xi32>, vector<16xi32>, vector<16xi1>) -> (vector<16xi1>, vector<16xi32>, vector<16xi32>)
        %masked_sort3A_266 = arith.xori %masked_sort3A_264, %masked_sort3A_261 : vector<16xi32>
        %masked_sort3A_267 = arith.constant dense<true> : vector<16xi1>
        %masked_sort3A_268 = arith.constant -2147483648 : i32
        %masked_sort3A_269 = vector.broadcast %masked_sort3A_268 : i32 to vector<16xi32>
        %masked_sort3A_270 = arith.xori %or3A_226, %masked_sort3A_269 : vector<16xi32>
        %masked_sort3A_271, %masked_sort3A_272, %masked_sort3A_273 = tpu.sort %masked_sort3A_270, %or3A_226 masked %masked_sort3A_267 {descending = true} : (vector<16xi32>, vector<16xi32>, vector<16xi1>) -> (vector<16xi1>, vector<16xi32>, vector<16xi32>)
        %masked_sort3A_274 = arith.xori %masked_sort3A_272, %masked_sort3A_269 : vector<16xi32>
        %swap3A_275 = arith.constant 0 : index
        %swap3A_276 = tpu.vector_load %arg6[%swap3A_275] {strides = array<i32>} : memref<64xi32, #tpu.memory_space<vmem>>, vector<16xi32>,
        tpu.vector_store %arg6[%swap3A_275], %masked_sort3A_266 {strides = array<i32>} : memref<64xi32, #tpu.memory_space<vmem>>, vector<16xi32>,
        %swap3A_277 = arith.constant 16 : index
        %swap3A_278 = tpu.vector_load %arg6[%swap3A_277] {strides = array<i32>} : memref<64xi32, #tpu.memory_space<vmem>>, vector<16xi32>,
        tpu.vector_store %arg6[%swap3A_277], %masked_sort3A_274 {strides = array<i32>} : memref<64xi32, #tpu.memory_space<vmem>>, vector<16xi32>,
        %get3A_279 = arith.constant 8 : index
        %get3A_280 = tpu.vector_load %arg6[%get3A_279] {strides = array<i32>} : memref<64xi32, #tpu.memory_space<vmem>>, vector<16xi32>,
        %get3A_281 = arith.constant 8 : index
        %get3A_282 = tpu.vector_load %arg6[%get3A_281] {strides = array<i32>} : memref<64xi32, #tpu.memory_space<vmem>>, vector<16xi32>,
        %masked_sort3A_283 = arith.constant dense<true> : vector<16xi1>
        %masked_sort3A_284 = arith.constant -2147483648 : i32
        %masked_sort3A_285 = vector.broadcast %masked_sort3A_284 : i32 to vector<16xi32>
        %masked_sort3A_286 = arith.xori %get3A_280, %masked_sort3A_285 : vector<16xi32>
        %masked_sort3A_287, %masked_sort3A_288, %masked_sort3A_289 = tpu.sort %masked_sort3A_286, %get3A_282 masked %masked_sort3A_283 : (vector<16xi32>, vector<16xi32>, vector<16xi1>) -> (vector<16xi1>, vector<16xi32>, vector<16xi32>)
        %masked_sort3A_290 = arith.xori %masked_sort3A_288, %masked_sort3A_285 : vector<16xi32>
        %masked_sort3A_291 = arith.constant dense<true> : vector<16xi1>
        %masked_sort3A_292 = arith.constant -2147483648 : i32
        %masked_sort3A_293 = vector.broadcast %masked_sort3A_292 : i32 to vector<16xi32>
        %masked_sort3A_294 = arith.xori %or3A_242, %masked_sort3A_293 : vector<16xi32>
        %masked_sort3A_295, %masked_sort3A_296, %masked_sort3A_297 = tpu.sort %masked_sort3A_294, %or3A_242 masked %masked_sort3A_291 : (vector<16xi32>, vector<16xi32>, vector<16xi1>) -> (vector<16xi1>, vector<16xi32>, vector<16xi32>)
        %masked_sort3A_298 = arith.xori %masked_sort3A_296, %masked_sort3A_293 : vector<16xi32>
        %masked_sort3A_299 = arith.constant dense<true> : vector<16xi1>
        %masked_sort3A_300 = arith.constant -2147483648 : i32
        %masked_sort3A_301 = vector.broadcast %masked_sort3A_300 : i32 to vector<16xi32>
        %masked_sort3A_302 = arith.xori %or3A_258, %masked_sort3A_301 : vector<16xi32>
        %masked_sort3A_303, %masked_sort3A_304, %masked_sort3A_305 = tpu.sort %masked_sort3A_302, %or3A_258 masked %masked_sort3A_299 {descending = true} : (vector<16xi32>, vector<16xi32>, vector<16xi1>) -> (vector<16xi1>, vector<16xi32>, vector<16xi32>)
        %masked_sort3A_306 = arith.xori %masked_sort3A_304, %masked_sort3A_301 : vector<16xi32>
        %swap3A_307 = arith.constant 0 : index
        %swap3A_308 = tpu.vector_load %arg6[%swap3A_307] {strides = array<i32>} : memref<64xi32, #tpu.memory_space<vmem>>, vector<16xi32>,
        tpu.vector_store %arg6[%swap3A_307], %masked_sort3A_298 {strides = array<i32>} : memref<64xi32, #tpu.memory_space<vmem>>, vector<16xi32>,
        %swap3A_309 = arith.constant 16 : index
        %swap3A_310 = tpu.vector_load %arg6[%swap3A_309] {strides = array<i32>} : memref<64xi32, #tpu.memory_space<vmem>>, vector<16xi32>,
        tpu.vector_store %arg6[%swap3A_309], %masked_sort3A_306 {strides = array<i32>} : memref<64xi32, #tpu.memory_space<vmem>>, vector<16xi32>,
        %get3A_311 = arith.constant 8 : index
        %get3A_312 = tpu.vector_load %arg6[%get3A_311] {strides = array<i32>} : memref<64xi32, #tpu.memory_space<vmem>>, vector<16xi32>,
        %get3A_313 = arith.constant 8 : index
        %get3A_314 = tpu.vector_load %arg6[%get3A_313] {strides = array<i32>} : memref<64xi32, #tpu.memory_space<vmem>>, vector<16xi32>,
        %masked_sort3A_315 = arith.constant dense<true> : vector<16xi1>
        %masked_sort3A_316 = arith.constant -2147483648 : i32
        %masked_sort3A_317 = vector.broadcast %masked_sort3A_316 : i32 to vector<16xi32>
        %masked_sort3A_318 = arith.xori %get3A_312, %masked_sort3A_317 : vector<16xi32>
        %masked_sort3A_319, %masked_sort3A_320, %masked_sort3A_321 = tpu.sort %masked_sort3A_318, %get3A_314 masked %masked_sort3A_315 {descending = true} : (vector<16xi32>, vector<16xi32>, vector<16xi1>) -> (vector<16xi1>, vector<16xi32>, vector<16xi32>)
        %masked_sort3A_322 = arith.xori %masked_sort3A_320, %masked_sort3A_317 : vector<16xi32>
        %swap3A_323 = arith.constant 0 : index
        %swap3A_324 = tpu.vector_load %arg6[%swap3A_323] {strides = array<i32>} : memref<64xi32, #tpu.memory_space<vmem>>, vector<16xi32>,
        tpu.vector_store %arg6[%swap3A_323], %masked_sort3A_290 {strides = array<i32>} : memref<64xi32, #tpu.memory_space<vmem>>, vector<16xi32>,
        %swap3A_325 = arith.constant 16 : index
        %swap3A_326 = tpu.vector_load %arg6[%swap3A_325] {strides = array<i32>} : memref<64xi32, #tpu.memory_space<vmem>>, vector<16xi32>,
        tpu.vector_store %arg6[%swap3A_325], %masked_sort3A_322 {strides = array<i32>} : memref<64xi32, #tpu.memory_space<vmem>>, vector<16xi32>,
        %get3A_327 = arith.constant 8 : index
        %get3A_328 = tpu.vector_load %arg6[%get3A_327] {strides = array<i32>} : memref<64xi32, #tpu.memory_space<vmem>>, vector<16xi32>,
        %get3A_329 = arith.constant 8 : index
        %get3A_330 = tpu.vector_load %arg6[%get3A_329] {strides = array<i32>} : memref<64xi32, #tpu.memory_space<vmem>>, vector<16xi32>,
        %masked_sort3A_331 = arith.constant dense<true> : vector<16xi1>
        %masked_sort3A_332 = arith.constant -2147483648 : i32
        %masked_sort3A_333 = vector.broadcast %masked_sort3A_332 : i32 to vector<16xi32>
        %masked_sort3A_334 = arith.xori %get3A_328, %masked_sort3A_333 : vector<16xi32>
        %masked_sort3A_335, %masked_sort3A_336, %masked_sort3A_337 = tpu.sort %masked_sort3A_334, %get3A_330 masked %masked_sort3A_331 {descending = true} : (vector<16xi32>, vector<16xi32>, vector<16xi1>) -> (vector<16xi1>, vector<16xi32>, vector<16xi32>)
        %masked_sort3A_338 = arith.xori %masked_sort3A_336, %masked_sort3A_333 : vector<16xi32>
        %swap3A_339 = arith.constant 40 : index
        %swap3A_340 = tpu.vector_load %arg6[%swap3A_339] {strides = array<i32>} : memref<64xi32, #tpu.memory_space<vmem>>, vector<16xi32>,
        tpu.vector_store %arg6[%swap3A_339], %masked_sort3A_338 {strides = array<i32>} : memref<64xi32, #tpu.memory_space<vmem>>, vector<16xi32>,
        %get3A_341 = arith.constant 32 : index
        %get3A_342 = tpu.vector_load %arg6[%get3A_341] {strides = array<i32>} : memref<64xi32, #tpu.memory_space<vmem>>, vector<16xi32>,
        %and3A_343 = arith.constant -64 : i32
        %and3A_344 = vector.broadcast %and3A_343 : i32 to vector<16xi32>
        %and3A_345 = arith.andi %get3A_342, %and3A_344 : vector<16xi32>
        %ge3A_346 = arith.constant 0 : i32
        %ge3A_347 = vector.broadcast %ge3A_346 : i32 to vector<16xi32>
        %ge3A_348 = arith.cmpi sge, %and3A_345, %ge3A_347 : vector<16xi32>
        %xor3A_349 = arith.constant 2147483647 : i32
        %xor3A_350 = vector.broadcast %xor3A_349 : i32 to vector<16xi32>
        %xor3A_351 = arith.xori %and3A_345, %xor3A_350 : vector<16xi32>
        %select_n3A_352 = arith.select %ge3A_348, %and3A_345, %xor3A_351 : vector<16xi1>, vector<16xi32>
        %bitcast_convert_type3A_353 = tpu.bitcast %select_n3A_352 : vector<16xi32> -> vector<16xf32>
        %mul3A_354 = arith.constant 16 : i32
        %mul3A_355 = arith.muli %scan3A_47, %mul3A_354 : i32
        %swap3A_356 = arith.index_cast %mul3A_355 : i32 to index
        %swap3A_357 = tpu.vector_load %arg7[%swap3A_356] {strides = array<i32>} : memref<1024xf32, #tpu.memory_space<vmem>>, vector<16xf32>,
        tpu.vector_store %arg7[%swap3A_356], %bitcast_convert_type3A_353 {strides = array<i32>} : memref<1024xf32, #tpu.memory_space<vmem>>, vector<16xf32>,
        %and3A_358 = arith.constant 63 : i32
        %and3A_359 = vector.broadcast %and3A_358 : i32 to vector<16xi32>
        %and3A_360 = arith.andi %get3A_342, %and3A_359 : vector<16xi32>
        %sub3A_361 = arith.constant 63 : i32
        %sub3A_362 = vector.broadcast %sub3A_361 : i32 to vector<16xi32>
        %sub3A_363 = arith.subi %sub3A_362, %and3A_360 : vector<16xi32>
        %mul3A_364 = arith.constant 16 : i32
        %mul3A_365 = arith.muli %scan3A_47, %mul3A_364 : i32
        %swap3A_366 = arith.index_cast %mul3A_365 : i32 to index
        %swap3A_367 = tpu.vector_load %arg8[%swap3A_366] {strides = array<i32>} : memref<1024xi32, #tpu.memory_space<vmem>>, vector<16xi32>,
        tpu.vector_store %arg8[%swap3A_366], %sub3A_363 {strides = array<i32>} : memref<1024xi32, #tpu.memory_space<vmem>>, vector<16xi32>,
      }
      %scan3A_42 = arith.constant 64 : i32
      %mul3A_43 = arith.constant 8 : i32
      %mul3A_44 = arith.muli %add3A_34, %mul3A_43 : i32
      "tpu.region"() ({
        %run_scoped3A = tpu.sem_alloc : memref<!tpu.dma_semaphore, #tpu.memory_space<semaphore_mem>>
        %dma_start3A = tpu.memref_slice %arg3[%mul3A_44] : memref<262144xf32, #tpu.memory_space<hbm>> -> memref<1024xf32, #tpu.memory_space<hbm>>
        %dma_start3A_47 = tpu.memref_slice %arg3[%mul3A_44] : memref<262144xf32, #tpu.memory_space<hbm>> -> memref<1024xf32, #tpu.memory_space<hbm>>
        tpu.enqueue_dma source(%arg7 : memref<1024xf32, #tpu.memory_space<vmem>>) target(%dma_start3A_47 : memref<1024xf32, #tpu.memory_space<hbm>>) target_semaphore(%run_scoped3A : memref<!tpu.dma_semaphore, #tpu.memory_space<semaphore_mem>>)
        %dma_wait3A = tpu.memref_slice %arg3[%mul3A_44] : memref<262144xf32, #tpu.memory_space<hbm>> -> memref<1024xf32, #tpu.memory_space<hbm>>
        %dma_wait3A_48 = tpu.memref_slice %arg3[%mul3A_44] : memref<262144xf32, #tpu.memory_space<hbm>> -> memref<1024xf32, #tpu.memory_space<hbm>>
        tpu.wait_dma2 semaphore(%run_scoped3A : memref<!tpu.dma_semaphore, #tpu.memory_space<semaphore_mem>>) src(%arg7 : memref<1024xf32, #tpu.memory_space<vmem>>) dst(%dma_wait3A_48 : memref<1024xf32, #tpu.memory_space<hbm>>)
        tpu.yield
      }) : () -> ()
      %mul3A_45 = arith.constant 8 : i32
      %mul3A_46 = arith.muli %add3A_34, %mul3A_45 : i32
      "tpu.region"() ({
        %run_scoped3A = tpu.sem_alloc : memref<!tpu.dma_semaphore, #tpu.memory_space<semaphore_mem>>
        %dma_start3A = tpu.memref_slice %arg4[%mul3A_46] : memref<262144xi32, #tpu.memory_space<hbm>> -> memref<1024xi32, #tpu.memory_space<hbm>>
        %dma_start3A_47 = tpu.memref_slice %arg4[%mul3A_46] : memref<262144xi32, #tpu.memory_space<hbm>> -> memref<1024xi32, #tpu.memory_space<hbm>>
        tpu.enqueue_dma source(%arg8 : memref<1024xi32, #tpu.memory_space<vmem>>) target(%dma_start3A_47 : memref<1024xi32, #tpu.memory_space<hbm>>) target_semaphore(%run_scoped3A : memref<!tpu.dma_semaphore, #tpu.memory_space<semaphore_mem>>)
        %dma_wait3A = tpu.memref_slice %arg4[%mul3A_46] : memref<262144xi32, #tpu.memory_space<hbm>> -> memref<1024xi32, #tpu.memory_space<hbm>>
        %dma_wait3A_48 = tpu.memref_slice %arg4[%mul3A_46] : memref<262144xi32, #tpu.memory_space<hbm>> -> memref<1024xi32, #tpu.memory_space<hbm>>
        tpu.wait_dma2 semaphore(%run_scoped3A : memref<!tpu.dma_semaphore, #tpu.memory_space<semaphore_mem>>) src(%arg8 : memref<1024xi32, #tpu.memory_space<vmem>>) dst(%dma_wait3A_48 : memref<1024xi32, #tpu.memory_space<hbm>>)
        tpu.yield
      }) : () -> ()
    }
    %scan3A_30 = arith.constant 8 : i32
    return
  }
}

module attributes {stable_mosaic.version = 14 : i64} {
  func.func @_matmul_body(%arg0: i32, %arg1: memref<1024x4096xf32, #tpu.memory_space<vmem>>, %arg2: memref<4096x64xf32, #tpu.memory_space<vmem>>, %arg3: memref<1024x64xf32, #tpu.memory_space<vmem>>) attributes {dimension_semantics = [#tpu.dimension_semantics<arbitrary>], iteration_bounds = array<i64: 32>, scalar_prefetch = 0 : i64, scratch_operands = 0 : i64, tpu.core_type = #tpu.core_type<tc>, window_params = [{transform_indices = @transform_0, window_bounds = array<i64: 1024, 4096>}, {pipeline_mode = #tpu.pipeline_mode<synchronous>, transform_indices = @transform_1, window_bounds = array<i64: 4096, 64>}, {transform_indices = @transform_2, window_bounds = array<i64: 1024, 64>}]} {
    %get3A = arith.constant 0 : index
    %get3A_0 = arith.constant 0 : index
    %get3A_1 = vector.load %arg1[%get3A, %get3A_0] : memref<1024x4096xf32, #tpu.memory_space<vmem>>, vector<1024x4096xf32>
    %get3A_2 = arith.constant 0 : index
    %get3A_3 = arith.constant 0 : index
    %get3A_4 = vector.load %arg2[%get3A_2, %get3A_3] : memref<4096x64xf32, #tpu.memory_space<vmem>>, vector<4096x64xf32>
    %dot_general3A = arith.constant dense<0.000000e+00> : vector<1024x64xf32>
    %dot_general3A_5 = tpu.matmul %get3A_1, %get3A_4, %dot_general3A {dimension_numbers = #tpu.dot_dimension_numbers<[1], [0], [0], [1], [0, 0, 1, 1], [], []>, transpose_lhs_hint = false} : vector<1024x4096xf32>, vector<4096x64xf32>, vector<1024x64xf32> -> vector<1024x64xf32>
    %swap3A = arith.constant 0 : index
    %swap3A_6 = arith.constant 0 : index
    %swap3A_7 = vector.load %arg3[%swap3A, %swap3A_6] : memref<1024x64xf32, #tpu.memory_space<vmem>>, vector<1024x64xf32>
    tpu.vector_store %arg3[%swap3A, %swap3A_6], %dot_general3A_5 {strides = array<i32>} : memref<1024x64xf32, #tpu.memory_space<vmem>>, vector<1024x64xf32>,
    return
  }
  func.func @transform_0(%arg0: i32) -> (i32, i32) {
    %c0_i32 = arith.constant 0 : i32
    %c0_i32_0 = arith.constant 0 : i32
    return %arg0, %c0_i32 : i32, i32
  }
  func.func @transform_1(%arg0: i32) -> (i32, i32) {
    %c0_i32 = arith.constant 0 : i32
    %c0_i32_0 = arith.constant 0 : i32
    %c0_i32_1 = arith.constant 0 : i32
    return %c0_i32, %c0_i32_0 : i32, i32
  }
  func.func @transform_2(%arg0: i32) -> (i32, i32) {
    %c0_i32 = arith.constant 0 : i32
    %c0_i32_0 = arith.constant 0 : i32
    return %arg0, %c0_i32 : i32, i32
  }
}

</mosaic_0001>

<sc_bundles>
// kernel: kernel.4.cloned.1.call-start
scs
__scs_entry_jumppad:
0x0: {  	(pc) =	sbr.rel $0x88, $3  }
0x1: {  	(tag) =	ssettag $0x0;
	lr =	simm.s32 $0x1  }
0x2: {  	[smem:$0x3F9F] =	sst lr;
	_ =	strace $0xD0000000  }
0x3: {  	_ = 	snop  }
0x4: {  	_ = 	snop  }
0x5: {  	_ = 	snop  }
0x6: {  	_ = 	snop  }
0x7: {  	_ = 	snop  }
__scs_overlays_trampoline_lowered:
0x8: {  	[smem:$0x3FAE] =	sst s0  }
0x9: {  	[smem:$0x3FAF] =	sst s1  }
0xa: {  	[smem:$0x3FB0] =	sst s2  }
0xb: {  	[smem:$0x3FB1] =	sst s3  }
0xc: {  	[smem:$0x3FB2] =	sst s4  }
0xd: {  	[smem:$0x3FB3] =	sst s5  }
0xe: {  	[smem:$0x3FB4] =	sst s6  }
0xf: {  	[smem:$0x3FB5] =	sst s7  }
0x10: {  	[smem:$0x3FB6] =	sst s8  }
0x11: {  	[smem:$0x3FB7] =	sst s9;
	s0 =	simm.s32 @!p0 $0x0  }
0x12: {  	s1 =	sld [smem:$0x3F9D];
	s0 =	simm.s32 @p0 $0x1  }
0x13: {  	[smem:$0x3FB8] =	sst s0;
	s0 =	simm.s32 @!p1 $0x0  }
0x14: {  	s2 =	sld [smem:$0x3F9C];
	s0 =	simm.s32 @p1 $0x1  }
0x15: {  	[smem:$0x3FB9] =	sst s0;
	s0 =	simm.s32 @!p2 $0x0  }
0x16: {  	s3 =	sld [smem:$0x3FDB];
	s0 =	simm.s32 @p2 $0x1  }
0x17: {  	s4 =	simm.s32 $0x1BF5;
	[smem:$0x3FBB] =	sst s0  }
0x18: {  	s0 =	sld [smem:$0x3F9E];
	_ =	swait.ge [sflag:s4], $0x0  }
0x19: {  	s7 =	sld [smem:$0x3F9F]  }
0x1a: {  	s8 =	sadd.s32 $0xFFFFE003, lr  }
0x1b: {  	s9 =	sadd.s32 $0xFFFFFEF7, lr;
	s5 =	simm.s32 $0xFFFFFFFF;
	p2 =	slt.u32 s8, $0xFFFFF086  }
0x1c: {  	p1 =	slt.u32 s9, $0xF7A;
	s5 =	simm.s32 @!p2 $0x0  }
0x1d: {  	s5 =	simm.s32 @p1 $0x1;
	p0 =	seq.s32 s7, s2  }
0x1e: {  	s7 =	smul.u32 @!p0 $0xF7A, s2;
	p2 =	seq.s32 @!p0 s5, $0x0  }
0x1f: {  	s9 =	smul.u32 $0xF7A, s1;
	s8 =	simm.s32 @!p0 $0x1BF5;
	p2 =	por !p2, p0  }
0x20: {  	[sflag:s8] =	ssyncset.s32 @!p0 $0xFFFFF086;
	s6 =	sadd.s32 @!p0 s3, s7;
	s7 =	simm.s32 @!p0 $0x108  }
0x21: {  	s3 =	sadd.s32 s3, s9;
	s6 =	sadd.s32 @!p0 $0x88, s6;
	s7 =	simm.s32 @p2 $0x1082  }
0x22: {  	[simem:s7], [sflag:s8] =	dma.local @!p0 [hbm:s6], $0xF7A  }
0x23: {  	s9 =	sor.u32 $0xD0000000, s2;
	s6 =	simm.s32 $0x108;
	_ =	swait.ge @!p0 [sflag:s8], $0x0  }
0x24: {  	s3 =	sadd.s32 $0x88, s3;
	s6 =	simm.s32 @!p1 $0x1082;
	[sflag:s4] =	ssyncset.s32 $0xFFFFF086  }
0x25: {  	[simem:s6], [sflag:s4] =	dma.local [hbm:s3], $0xF7A  }
0x26: {  	[smem:$0x3F9F] =	sst s1;
	(tag) =	ssettag s2;
	_ =	strace s9  }
0x27: {  	s1 =	sld [smem:$0x3FAF]  }
0x28: {  	s2 =	sld [smem:$0x3FB0]  }
0x29: {  	s4 =	sld [smem:$0x3FB2]  }
0x2a: {  	p0 =	seq.s32 s5, $0x0;
	s5 =	sld [smem:$0x3FB3]  }
0x2b: {  	s6 =	sld [smem:$0x3FB4]  }
0x2c: {  	s7 =	sld [smem:$0x3FB5]  }
0x2d: {  	s3 =	simm.s32 $0x108;
	s8 =	sld [smem:$0x3FB6]  }
0x2e: {  	s3 =	simm.s32 @!p0 $0x1082;
	s9 =	sld [smem:$0x3FB7]  }
0x2f: {  	lr =	sadd.s32 s0, s3;
	s0 =	sld [smem:$0x3FAE]  }
0x30: {  	s3 =	sld [smem:$0x3FB1]  }
0x31: {  	[smem:$0x3FBA] =	sst s10  }
0x32: {  	s10 =	sld [smem:$0x3FB8];
	_ =	sdelay $0x3  }
0x33: {  	p0 =	seq.s32 s10, $0x1;
	s10 =	sld [smem:$0x3FBA];
	_ =	sdelay $0x3  }
0x34: {  	[smem:$0x3FBA] =	sst s10  }
0x35: {  	s10 =	sld [smem:$0x3FB9];
	_ =	sdelay $0x3  }
0x36: {  	p1 =	seq.s32 s10, $0x1;
	s10 =	sld [smem:$0x3FBA];
	_ =	sdelay $0x3  }
0x37: {  	[smem:$0x3FBA] =	sst s10  }
0x38: {  	s10 =	sld [smem:$0x3FBB]  }
0x39: {  	_ = 	snop;
	(pc) =	sbr.ind lr, $3  }
0x3a: {  	_ = 	snop  }
0x3b: {  	_ = 	snop  }
0x3c: {  	p2 =	seq.s32 s10, $0x1;
	s10 =	sld [smem:$0x3FBA]  }
0x3d: {  	_ =	shalt  }
0x3e: {  	_ =	shalt  }
0x3f: {  	_ =	shalt  }
0x40: {  	_ =	shalt  }
0x41: {  	_ =	shalt  }
0x42: {  	_ =	shalt  }
0x43: {  	_ =	shalt  }
0x44: {  	_ =	shalt  }
0x45: {  	_ =	shalt  }
0x46: {  	_ =	shalt  }
0x47: {  	_ =	shalt  }
0x48: {  	_ =	shalt  }
0x49: {  	_ =	shalt  }
0x4a: {  	_ =	shalt  }
0x4b: {  	_ =	shalt  }
0x4c: {  	_ =	shalt  }
0x4d: {  	_ =	shalt  }
0x4e: {  	_ =	shalt  }
0x4f: {  	_ =	shalt  }
0x50: {  	_ =	shalt  }
0x51: {  	_ =	shalt  }
0x52: {  	_ =	shalt  }
0x53: {  	_ =	shalt  }
0x54: {  	_ =	shalt  }
0x55: {  	_ =	shalt  }
0x56: {  	_ =	shalt  }
0x57: {  	_ =	shalt  }
0x58: {  	_ =	shalt  }
0x59: {  	_ =	shalt  }
0x5a: {  	_ =	shalt  }
0x5b: {  	_ =	shalt  }
0x5c: {  	_ =	shalt  }
0x5d: {  	_ =	shalt  }
0x5e: {  	_ =	shalt  }
0x5f: {  	_ =	shalt  }
0x60: {  	_ =	shalt  }
0x61: {  	_ =	shalt  }
0x62: {  	_ =	shalt  }
0x63: {  	_ =	shalt  }
0x64: {  	_ =	shalt  }
0x65: {  	_ =	shalt  }
0x66: {  	_ =	shalt  }
0x67: {  	_ =	shalt  }
0x68: {  	_ =	shalt  }
0x69: {  	_ =	shalt  }
0x6a: {  	_ =	shalt  }
0x6b: {  	_ =	shalt  }
0x6c: {  	_ =	shalt  }
0x6d: {  	_ =	shalt  }
0x6e: {  	_ =	shalt  }
0x6f: {  	_ =	shalt  }
0x70: {  	_ =	shalt  }
0x71: {  	_ =	shalt  }
0x72: {  	_ =	shalt  }
0x73: {  	_ =	shalt  }
0x74: {  	_ =	shalt  }
0x75: {  	_ =	shalt  }
0x76: {  	_ =	shalt  }
0x77: {  	_ =	shalt  }
0x78: {  	_ =	shalt  }
0x79: {  	_ =	shalt  }
0x7a: {  	_ =	shalt  }
0x7b: {  	_ =	shalt  }
0x7c: {  	_ =	shalt  }
0x7d: {  	_ =	shalt  }
0x7e: {  	_ =	shalt  }
0x7f: {  	_ =	shalt  }
0x80: {  	_ =	shalt  }
0x81: {  	_ =	shalt  }
0x82: {  	_ =	shalt  }
0x83: {  	_ =	shalt  }
0x84: {  	_ =	shalt  }
0x85: {  	_ =	shalt  }
0x86: {  	_ =	shalt  }
0x87: {  	_ =	shalt  }
.Lfunc_end0:
.L_simem_size_0:
called_computation_lowered:
.L_overlay_start_0:
0x88: {  	s2 =	sld [smem:$0x3FD9]  }
0x89: {  	s3 =	sld [smem:$0x3FFE];
	_ =	sdelay $0x1  }
0x8a: {  	s1 =	srdreg.scid  }
0x8b: {  	s0 =	sand.u32 $0x1, s1  }
0x8c: {  	s14 =	sshll.u32 s0, $0xA;
	s2 =	sadd.s32 s3, s2  }
0x8d: {  	s2 =	sadd.s32 s2, s14  }
0x8e: {  	[smem:$0x3FC6] =	sst s2  }
0x8f: {  	_ = 	snop  }
0x90: {  	s2 =	sld [smem:$0x3FD0];
	_ =	sdelay $0x2  }
0x91: {  	s15 =	simm.s32 $0xA;
	s4 =	simm.s32 $0x10  }
0x92: {  	[smem:s4], [sflag:s15] =	dma.local [hbm:s2], $0x1  }
0x93: {  	_ =	swait.eq [sflag:s15], $0x1  }
0x94: {  	[sflag:s15] =	ssyncset.done $0x0  }
0x95: {  	[sflag:s15] =	ssyncadd.s32 $0xFFFFFFFF  }
0x96: {  	s16 =	sld [smem:$0x11];
	(tm) =	ssettm $0x1  }
0x97: {  	s17 =	sld [smem:$0x3FFB];
	_ =	sdelay $0x3  }
0x98: {  	_ =	strace s17  }
0x99: {  	s3 =	sld [smem:$0x3FFC];
	_ =	sdelay $0x3  }
0x9a: {  	_ =	strace s3  }
0x9b: {  	s3 =	sld [smem:$0x3FFD];
	_ =	sdelay $0x3  }
0x9c: {  	_ =	strace s3  }
0x9d: {  	_ =	strace $0x8FFFFFFF  }
0x9e: {  	s18 =	sld [smem:$0x3FDB];
	_ =	sdelay $0x1  }
0x9f: {  	s19 =	simm.s32 $_scs_section_size  }
0xa0: {  	s5 =	simm.s32 $_size__tile_overlayer_lowered;
	s6 =	simm.s32 $_tile_overlayer_lowered  }
0xa1: {  	s22 =	simm.s32 $0x1BFF;
	s21 =	sshll.u32 s6, $0x1;
	s3 =	sadd.s32 s19, s18  }
0xa2: {  	s7 =	simm.s32 $0x0;
	s20 =	sshll.u32 s5, $0x1;
	s5 =	sadd.s32 s21, s3  }
0xa3: {  	[timem:s7], [sflag:s22] =	dma.local [hbm:s5], s20  }
0xa4: {  	_ =	swait.ge [sflag:s22], s20  }
0xa5: {  	s4 =	ssub.s32 $0x0, s20;
	[sflag:s22] =	ssyncset.done $0x0  }
0xa6: {  	[sflag:s22] =	ssyncadd.s32 s4;
	_ =	sdelay $0x1  }
0xa7: {  	s23 =	simm.s32 $0x1B8B  }
0xa8: {  	_ =	swait.ge [sflag:s23], $0x1  }
0xa9: {  	[sflag:s23] =	ssyncset.done $0x0  }
0xaa: {  	s25 =	simm.s32 $0x1B8E;
	s24 =	sld [smem:$0x3FFE];
	[sflag:s23] =	ssyncadd.s32 $0xFFFFFFFF  }
0xab: {  	s26 =	simm.s32 $execute0_lowered;
	[smem:$0x3FD2] =	sst s25  }
0xac: {  	s5 =	sshll.u32 s26, $0x1;
	_ =	strace $0x80000046;
	[dreg:$0x1] =	wrdreg $0xFFFFFFFF  }
0xad: {  	s28 =	simm.s32 $_size_execute0_lowered;
	s3 =	sadd.s32 s3, s5;
	[dreg:$0x0] =	wrdreg $0x0  }
0xae: {  	s5 =	sshll.u32 s28, $0x1;
	[dreg:$0x2] =	wrdreg s3  }
0xaf: {  	[dreg:$0x3] =	wrdreg s5  }
0xb0: {  	[dreg:$0x4] =	wrdreg $0xC0  }
0xb1: {  	_ =	task [dreg:s7], $0x5FFFF  }
0xb2: {  	[dreg:$0x1] =	wrdreg $0xFFFFFFFF  }
0xb3: {  	[dreg:$0x0] =	wrdreg $0x60  }
0xb4: {  	[dreg:$0x2] =	wrdreg s24  }
0xb5: {  	[dreg:$0x3] =	wrdreg s16  }
0xb6: {  	[dreg:$0x4] =	wrdreg $0x9  }
0xb7: {  	_ =	task.clear_ibuf [dreg:s7], $0x5FFFF;
	_ =	strace $0x90000046  }
0xb8: {  	s29 =	simm.s32 $0x9;
	_ =	strace $0x80000048  }
0xb9: {  	_ =	swait.ge [sflag:s29], $0x1  }
0xba: {  	[sflag:s29] =	ssyncadd.s32 $0xFFFFFFFF  }
0xbb: {  	_ =	strace $0x90000048  }
0xbc: {  	_ =	sfence  }
0xbd: {  	s30 =	sld [smem:$0x0];
	_ =	sdelay $0x2  }
0xbe: {  	s31 =	sshll.u32 s1, $0xD;
	s1 =	sshrl.u32 s1, $0x2  }
0xbf: {  	s3 =	sand.u32 $0x4000, s31;
	s1 =	sadd.s32 s1, s30  }
0xc0: {  	s0 =	sor.u32 s3, s0;
	s1 =	sshll.u32 s1, $0x11  }
0xc1: {  	s0 =	sor.u32 s1, s0  }
0xc2: {  	s0 =	sadd.s32 $0x8F2B, s0  }
0xc3: {  	[sflag:s0] =	ssyncadd.remote.s32 $0x1  }
0xc4: {  	_ =	sfence.sel $0xFFFF  }
0xc5: {  	[dreg:$0x0] =	wrdreg $0xFFFFFFFF;
	(pc) =	sbr.abs _section_cstart, $3  }
0xc6: {  	[dreg:$0x1] =	wrdreg $0xFFFFFFFF  }
0xc7: {  	_ =	task.clear_ibuf [dreg:s7], $0x2FFFF;
	_ =	strace $0x9FFFFFFF  }
0xc8: {  	(tm) =	ssettm $0x7FFFFFFF  }
0xc9: {  	_ =	shalt  }
tec
execute0_lowered:
.L_overlay_start_1:
0x0: {  	(tag) =	ssettag $0x1  }
0x1: {  	s3 =	rddreg [dreg:$0x0]  }
0x2: {  	s1 =	rddreg [dreg:$0x1]  }
0x3: {  	s0 =	rddreg [dreg:$0x2];
	s2 =	simm.s32 $0x0  }
0x4: {  	s4 =	srdreg.scid;
	s9 =	simm.s32 $0x2080;
	s10 =	simm.s32 $0x2480  }
0x5: {  	v0 =	vlaneseq.u32;
	s11 =	simm.s32 $0x0;
	[smem:$0x7FF] =	sst s2;
	s6 =	sand.u32 $0x1, s4  }
0x6: {  	s4 =	sadd.s32 $0xA00, s3;
	s5 =	sadd.s32 $0x40A00, s3;
	v3 =	vmul.u32 $0xFFFFFFFF, v0;
	s7 =	ssub.s32 $0x2, s6  }
0x7: {  	s3 =	stileid.u32;
	_ =	strace $0x80000047;
	s8 =	sshrl.u32 s7, $0x1  }
0x8: {  	s31 =	sshll.u32 s3, $0xB;
	s6 =	sshll.u32 s6, $0xA;
	v0 =	vadd.s32 $0x3F, v3;
	s7 =	ssub.s32 s7, s8  }
0x9: {  	s6 =	sor.u32 s6, s31;
	v1 =	vadd.s32 $0x2F, v3;
	v2 =	vadd.s32 $0x1F, v3;
	v3 =	vadd.s32 $0xF, v3;
	s8 =	simm.s32 $0x1;
	s7 =	smax.u32 s7, $0x1  }
.LBB2_1:
0xa: {  	s12 =	simm.s32 $0x0  }
.LBB2_2:
0xb: {  	s13 =	sshll.u32 s12, $0x7  }
0xc: {  	s13 =	sadd.s32 s6, s13  }
0xd: {  	s14 =	sshll.u32 s13, $0x3  }
0xe: {  	s15 =	sadd.s32 s4, s14;
	s14 =	simm.s32 $0x0  }
0xf: {  	[tilespmem:s14], [sflag:$0x1] =	stream.linear.gather [hbm4b:s15+s14], $0x2000, $0x38;
	[tilespmem:$0x2880] =	vst v63  }
0x10: {  	_ =	swait.ge [sflag:s8], $0x2000  }
0x11: {  	[sflag:s8] =	ssyncset.done $0x0  }
0x12: {  	s15 =	simm.s32 $0x40;
	[sflag:s8] =	ssyncadd.s32 $0xFFFFE000  }
0x13: {  	v4 =	vld [tilespmem:s15+$0xFFFFFFC0]  }
0x14: {  	v5 =	vld [tilespmem:s15+$0xFFFFFFD0]  }
0x15: {  	v6 =	vld [tilespmem:s15+$0xFFFFFFE0];
	_ =	sdelay $0x1  }
0x16: {  	v7 =	vld [tilespmem:s15+$0xFFFFFFF0]  }
0x17: {  	v8 =	vxor.u32 $0x7FFFFFC0, v4;
	vm0 =	vlt.s32 v4, $0x0  }
0x18: {  	v9 =	vxor.u32 $0x7FFFFFC0, v5;
	vm1 =	vlt.s32 v5, $0x0;
	v4 =	vsel vm0, v8, v4  }
0x19: {  	v46 =	vxor.u32 $0x7FFFFFC0, v6;
	v5 =	vsel vm1, v9, v5;
	v4 =	vand.u32 $0xFFFFFFC0, v4  }
0x1a: {  	vm10 =	vlt.s32 v6, $0x0;
	v5 =	vand.u32 $0xFFFFFFC0, v5;
	v4 =	vor.u32 v0, v4  }
0x1b: {  	v47 =	vxor.u32 $0x7FFFFFC0, v7;
	v5 =	vor.u32 v1, v5;
	v48 =	vxor.u32 $0x80000000, v4  }
0x1c: {  	vm11 =	vlt.s32 v7, $0x0;
	v6 =	vsel vm10, v46, v6;
	v49 =	vxor.u32 $0x80000000, v5;
	(xrf1) =	vsort.ascd.msk.u32 $0xffff, v48, v4  }
0x1d: {  	v7 =	vsel vm11, v47, v7;
	v6 =	vand.u32 $0xFFFFFFC0, v6;
	(xrf1) =	vsort.dscd.msk.u32 $0xffff, v49, v5  }
0x1e: {  	v50 =	vand.u32 $0xFFFFFFC0, v7;
	v4 =	vor.u32 v2, v6  }
0x1f: {  	v5 =	vor.u32 v3, v50;
	v51 =	vxor.u32 $0x80000000, v4  }
0x20: {  	v52 =	vxor.u32 $0x80000000, v5;
	(xrf1) =	vsort.ascd.msk.u32 $0xffff, v51, v4  }
0x21: {  	(xrf1) =	vsort.dscd.msk.u32 $0xffff, v52, v5;
	_ =	sdelay $0x8  }
0x22: {  	v4, _, _ =	vpop (xrf1)  }
0x23: {  	v4 =	vxor.u32 $0x80000000, v4;
	v5, _, _ =	vpop (xrf1)  }
0x24: {  	v5 =	vxor.u32 $0x80000000, v5;
	_ =	sdelay $0x1  }
0x25: {  	[tilespmem:$0x2000] =	vst v4;
	v4, _, _ =	vpop (xrf1)  }
0x26: {  	[tilespmem:$0x2010] =	vst v5;
	v5, _, _ =	vpop (xrf1);
	v4 =	vxor.u32 $0x80000000, v4  }
0x27: {  	v53 =	vld [tilespmem:$0x2008];
	v5 =	vxor.u32 $0x80000000, v5;
	[tilespmem:$0x2000] =	vst v4  }
0x28: {  	[tilespmem:$0x2010] =	vst v5  }
0x29: {  	v4 =	vld [tilespmem:$0x2008];
	_ =	sdelay $0x3  }
0x2a: {  	v5 =	vxor.u32 $0x80000000, v53  }
0x2b: {  	(xrf1) =	vsort.ascd.msk.u32 $0xffff, v5, v53;
	v5 =	vxor.u32 $0x80000000, v4  }
0x2c: {  	(xrf1) =	vsort.dscd.msk.u32 $0xffff, v5, v4;
	_ =	sdelay $0xc  }
0x2d: {  	v4, _, _ =	vpop (xrf1)  }
0x2e: {  	v4 =	vxor.u32 $0x80000000, v4;
	v5, _, _ =	vpop (xrf1)  }
0x2f: {  	[tilespmem:$0x2000] =	vst v4;
	v4 =	vxor.u32 $0x80000000, v5  }
0x30: {  	[tilespmem:$0x2010] =	vst v4  }
0x31: {  	v4 =	vld [tilespmem:$0x2008];
	_ =	sdelay $0x4  }
0x32: {  	v5 =	vxor.u32 $0x80000000, v4  }
0x33: {  	(xrf1) =	vsort.dscd.msk.u32 $0xffff, v5, v4;
	_ =	sdelay $0xd  }
0x34: {  	v4, _, _ =	vpop (xrf1)  }
0x35: {  	v4 =	vxor.u32 $0x80000000, v4  }
0x36: {  	[tilespmem:$0x2020] =	vst v4  }
0x37: {  	v4 =	vld [tilespmem:s15+$0x0]  }
0x38: {  	v5 =	vld [tilespmem:s15+$0x10]  }
0x39: {  	v54 =	vld [tilespmem:s15+$0x30];
	_ =	sdelay $0x1  }
0x3a: {  	v55 =	vld [tilespmem:s15+$0x20]  }
0x3b: {  	v56 =	vxor.u32 $0x7FFFFFC0, v4;
	vm12 =	vlt.s32 v4, $0x0  }
0x3c: {  	v57 =	vxor.u32 $0x7FFFFFC0, v5;
	v4 =	vsel vm12, v56, v4  }
0x3d: {  	vm13 =	vlt.s32 v5, $0x0;
	vm14 =	vlt.s32 v54, $0x0;
	v4 =	vand.u32 $0xFFFFFFC0, v4  }
0x3e: {  	v58 =	vxor.u32 $0x7FFFFFC0, v54;
	v5 =	vsel vm13, v57, v5;
	v4 =	vor.u32 v0, v4  }
0x3f: {  	v60 =	vxor.u32 $0x7FFFFFC0, v55;
	v5 =	vand.u32 $0xFFFFFFC0, v5;
	v59 =	vxor.u32 $0x80000000, v4  }
0x40: {  	vm15 =	vlt.s32 v55, $0x0;
	v6 =	vsel vm14, v58, v54;
	v5 =	vor.u32 v1, v5;
	(xrf1) =	vsort.ascd.msk.u32 $0xffff, v59, v4  }
0x41: {  	v6 =	vand.u32 $0xFFFFFFC0, v6;
	v10 =	vxor.u32 $0x80000000, v5;
	v4 =	vsel vm15, v60, v55  }
0x42: {  	(xrf1) =	vsort.dscd.msk.u32 $0xffff, v10, v5;
	v4 =	vand.u32 $0xFFFFFFC0, v4;
	v5 =	vor.u32 v3, v6  }
0x43: {  	v4 =	vor.u32 v2, v4;
	v6 =	vxor.u32 $0x80000000, v5  }
0x44: {  	v61 =	vxor.u32 $0x80000000, v4;
	(xrf1) =	vsort.dscd.msk.u32 $0xffff, v6, v5  }
0x45: {  	(xrf1) =	vsort.ascd.msk.u32 $0xffff, v61, v4;
	_ =	sdelay $0x8  }
0x46: {  	v4, _, _ =	vpop (xrf1)  }
0x47: {  	v4 =	vxor.u32 $0x80000000, v4;
	_ =	sdelay $0x1  }
0x48: {  	v5, _, _ =	vpop (xrf1)  }
0x49: {  	v5 =	vxor.u32 $0x80000000, v5;
	[tilespmem:$0x2000] =	vst v4;
	v4, _, _ =	vpop (xrf1)  }
0x4a: {  	[tilespmem:$0x2010] =	vst v5;
	v4 =	vxor.u32 $0x80000000, v4;
	v62, _, _ =	vpop (xrf1)  }
0x4b: {  	v5 =	vld [tilespmem:$0x2008];
	v6 =	vxor.u32 $0x80000000, v62;
	[tilespmem:$0x2010] =	vst v4  }
0x4c: {  	[tilespmem:$0x2000] =	vst v6  }
0x4d: {  	v4 =	vld [tilespmem:$0x2008];
	_ =	sdelay $0x3  }
0x4e: {  	v63 =	vxor.u32 $0x80000000, v5  }
0x4f: {  	(xrf1) =	vsort.ascd.msk.u32 $0xffff, v63, v5;
	v5 =	vxor.u32 $0x80000000, v4  }
0x50: {  	(xrf1) =	vsort.dscd.msk.u32 $0xffff, v5, v4;
	_ =	sdelay $0xc  }
0x51: {  	v4, _, _ =	vpop (xrf1)  }
0x52: {  	v4 =	vxor.u32 $0x80000000, v4;
	v5, _, _ =	vpop (xrf1)  }
0x53: {  	[tilespmem:$0x2000] =	vst v4;
	v4 =	vxor.u32 $0x80000000, v5  }
0x54: {  	[tilespmem:$0x2010] =	vst v4  }
0x55: {  	v4 =	vld [tilespmem:$0x2008];
	_ =	sdelay $0x4  }
0x56: {  	v5 =	vxor.u32 $0x80000000, v4  }
0x57: {  	s16 =	simm.s32 $0x40;
	(xrf1) =	vsort.dscd.msk.u32 $0xffff, v5, v4  }
.LBB2_3:
0x58: {  	_ =	sdelay $0x9  }
0x59: {  	p0 =	sne.s32 s16, $0xFC0  }
0x5a: {  	s15 =	sadd.s32 $0x80, s15;
	s17 =	smov.u32 s16;
	s16 =	sadd.s32 $0x40, s16  }
0x5b: {  	_ = 	snop  }
0x5c: {  	v4, _, _ =	vpop (xrf1)  }
0x5d: {  	v4 =	vxor.u32 $0x80000000, v4  }
0x5e: {  	[tilespmem:$0x2028] =	vst v4  }
0x5f: {  	v4 =	vld [tilespmem:$0x2020];
	_ =	sdelay $0x4  }
0x60: {  	s18 =	sshra.s32 s14, $0x2;
	s14 =	smov.u32 s17;
	v5 =	vand.u32 $0xFFFFFFC0, v4;
	v6 =	vandn.u32 $0x3F, v4  }
0x61: {  	vm0 =	vlt.s32 v4, $0x0;
	v7 =	vxor.u32 $0x7FFFFFFF, v5;
	[tilespmem:s18+$0x2480] =	vst v6  }
0x62: {  	v4 =	vsel vm0, v7, v5  }
0x63: {  	[tilespmem:s18+$0x2080] =	vst v4  }
0x64: {  	v4 =	vld [tilespmem:s15+$0xFFFFFFC0]  }
0x65: {  	v5 =	vld [tilespmem:s15+$0xFFFFFFE0]  }
0x66: {  	v6 =	vld [tilespmem:s15+$0xFFFFFFD0];
	_ =	sdelay $0x1  }
0x67: {  	v7 =	vld [tilespmem:s15+$0xFFFFFFF0];
	_ =	sdelay $0x1  }
0x68: {  	v8 =	vxor.u32 $0x7FFFFFC0, v4;
	vm0 =	vlt.s32 v4, $0x0;
	v9 =	vxor.u32 $0x7FFFFFC0, v5  }
0x69: {  	v4 =	vsel vm0, v8, v4;
	v8 =	vxor.u32 $0x7FFFFFC0, v6;
	vm0 =	vlt.s32 v6, $0x0  }
0x6a: {  	v4 =	vand.u32 $0xFFFFFFC0, v4;
	v6 =	vsel vm0, v8, v6;
	vm0 =	vlt.s32 v5, $0x0  }
0x6b: {  	v4 =	vor.u32 v0, v4;
	v6 =	vand.u32 $0xFFFFFFC0, v6;
	v5 =	vsel vm0, v9, v5  }
0x6c: {  	v8 =	vxor.u32 $0x7FFFFFC0, v7;
	vm0 =	vlt.s32 v7, $0x0;
	v6 =	vor.u32 v1, v6  }
0x6d: {  	v5 =	vand.u32 $0xFFFFFFC0, v5;
	v7 =	vsel vm0, v8, v7;
	v8 =	vxor.u32 $0x80000000, v4  }
0x6e: {  	v5 =	vor.u32 v2, v5;
	v7 =	vand.u32 $0xFFFFFFC0, v7;
	v9 =	vxor.u32 $0x80000000, v6;
	(xrf1) =	vsort.ascd.msk.u32 $0xffff, v8, v4  }
0x6f: {  	v4 =	vor.u32 v3, v7;
	v7 =	vxor.u32 $0x80000000, v5;
	(xrf1) =	vsort.dscd.msk.u32 $0xffff, v9, v6  }
0x70: {  	v6 =	vxor.u32 $0x80000000, v4;
	(xrf1) =	vsort.ascd.msk.u32 $0xffff, v7, v5  }
0x71: {  	(xrf1) =	vsort.dscd.msk.u32 $0xffff, v6, v4;
	_ =	sdelay $0xa  }
0x72: {  	v4, _, _ =	vpop (xrf1)  }
0x73: {  	v6 =	vxor.u32 $0x80000000, v4;
	v5, _, _ =	vpop (xrf1)  }
0x74: {  	v7 =	vxor.u32 $0x80000000, v5;
	[tilespmem:$0x2000] =	vst v6;
	v4, _, _ =	vpop (xrf1)  }
0x75: {  	[tilespmem:$0x2010] =	vst v7;
	v5, _, _ =	vpop (xrf1)  }
0x76: {  	v4 =	vxor.u32 $0x80000000, v4;
	v6 =	vld [tilespmem:$0x2008];
	v5 =	vxor.u32 $0x80000000, v5  }
0x77: {  	[tilespmem:$0x2000] =	vst v4  }
0x78: {  	[tilespmem:$0x2010] =	vst v5  }
0x79: {  	v4 =	vld [tilespmem:$0x2008];
	_ =	sdelay $0x1  }
0x7a: {  	v5 =	vxor.u32 $0x80000000, v6  }
0x7b: {  	(xrf1) =	vsort.ascd.msk.u32 $0xffff, v5, v6;
	_ =	sdelay $0x1  }
0x7c: {  	v5 =	vxor.u32 $0x80000000, v4  }
0x7d: {  	(xrf1) =	vsort.dscd.msk.u32 $0xffff, v5, v4;
	_ =	sdelay $0xa  }
0x7e: {  	v4, _, _ =	vpop (xrf1)  }
0x7f: {  	v5 =	vxor.u32 $0x80000000, v4  }
0x80: {  	[tilespmem:$0x2000] =	vst v5  }
0x81: {  	v4, _, _ =	vpop (xrf1)  }
0x82: {  	v4 =	vxor.u32 $0x80000000, v4  }
0x83: {  	[tilespmem:$0x2010] =	vst v4  }
0x84: {  	v4 =	vld [tilespmem:$0x2008];
	_ =	sdelay $0x4  }
0x85: {  	v5 =	vxor.u32 $0x80000000, v4  }
0x86: {  	(xrf1) =	vsort.dscd.msk.u32 $0xffff, v5, v4;
	_ =	sdelay $0xd  }
0x87: {  	v4, _, _ =	vpop (xrf1)  }
0x88: {  	v4 =	vxor.u32 $0x80000000, v4  }
0x89: {  	[tilespmem:$0x2020] =	vst v4  }
0x8a: {  	v4 =	vld [tilespmem:s15+$0x0]  }
0x8b: {  	v5 =	vld [tilespmem:s15+$0x10]  }
0x8c: {  	v6 =	vld [tilespmem:s15+$0x30]  }
0x8d: {  	v7 =	vld [tilespmem:s15+$0x20];
	_ =	sdelay $0x1  }
0x8e: {  	v8 =	vxor.u32 $0x7FFFFFC0, v4;
	vm0 =	vlt.s32 v4, $0x0  }
0x8f: {  	v4 =	vsel vm0, v8, v4;
	v8 =	vxor.u32 $0x7FFFFFC0, v5;
	vm0 =	vlt.s32 v5, $0x0  }
0x90: {  	v4 =	vand.u32 $0xFFFFFFC0, v4;
	v5 =	vsel vm0, v8, v5;
	vm0 =	vlt.s32 v6, $0x0  }
0x91: {  	v8 =	vxor.u32 $0x7FFFFFC0, v6;
	v4 =	vor.u32 v0, v4;
	v5 =	vand.u32 $0xFFFFFFC0, v5  }
0x92: {  	v6 =	vsel vm0, v8, v6;
	v5 =	vor.u32 v1, v5;
	v8 =	vxor.u32 $0x80000000, v4  }
0x93: {  	v9 =	vxor.u32 $0x7FFFFFC0, v7;
	vm0 =	vlt.s32 v7, $0x0;
	v10 =	vxor.u32 $0x80000000, v5;
	(xrf1) =	vsort.ascd.msk.u32 $0xffff, v8, v4  }
0x94: {  	v6 =	vand.u32 $0xFFFFFFC0, v6;
	v4 =	vsel vm0, v9, v7;
	(xrf1) =	vsort.dscd.msk.u32 $0xffff, v10, v5  }
0x95: {  	v4 =	vand.u32 $0xFFFFFFC0, v4;
	v5 =	vor.u32 v3, v6  }
0x96: {  	v4 =	vor.u32 v2, v4;
	v6 =	vxor.u32 $0x80000000, v5  }
0x97: {  	v7 =	vxor.u32 $0x80000000, v4;
	(xrf1) =	vsort.dscd.msk.u32 $0xffff, v6, v5  }
0x98: {  	(xrf1) =	vsort.ascd.msk.u32 $0xffff, v7, v4;
	_ =	sdelay $0x8  }
0x99: {  	v4, _, _ =	vpop (xrf1)  }
0x9a: {  	v4 =	vxor.u32 $0x80000000, v4;
	v5, _, _ =	vpop (xrf1)  }
0x9b: {  	v6 =	vxor.u32 $0x80000000, v5;
	[tilespmem:$0x2000] =	vst v4  }
0x9c: {  	[tilespmem:$0x2010] =	vst v6  }
0x9d: {  	v4 =	vld [tilespmem:$0x2008];
	v5, _, _ =	vpop (xrf1)  }
0x9e: {  	v5 =	vxor.u32 $0x80000000, v5;
	v6, _, _ =	vpop (xrf1)  }
0x9f: {  	v6 =	vxor.u32 $0x80000000, v6;
	[tilespmem:$0x2010] =	vst v5  }
0xa0: {  	[tilespmem:$0x2000] =	vst v6  }
0xa1: {  	v5 =	vld [tilespmem:$0x2008]  }
0xa2: {  	v6 =	vxor.u32 $0x80000000, v4  }
0xa3: {  	(xrf1) =	vsort.ascd.msk.u32 $0xffff, v6, v4;
	_ =	sdelay $0x2  }
0xa4: {  	v4 =	vxor.u32 $0x80000000, v5  }
0xa5: {  	(xrf1) =	vsort.dscd.msk.u32 $0xffff, v4, v5;
	_ =	sdelay $0x9  }
0xa6: {  	v4, _, _ =	vpop (xrf1)  }
0xa7: {  	v4 =	vxor.u32 $0x80000000, v4  }
0xa8: {  	[tilespmem:$0x2000] =	vst v4;
	_ =	sdelay $0x1  }
0xa9: {  	v4, _, _ =	vpop (xrf1)  }
0xaa: {  	v4 =	vxor.u32 $0x80000000, v4  }
0xab: {  	[tilespmem:$0x2010] =	vst v4  }
0xac: {  	v4 =	vld [tilespmem:$0x2008];
	_ =	sdelay $0x1  }
.Ltmp0:
0xad: {  	(pc) =	sbr.rel @p0 .LBB2_3-.Ltmp0, $3  }
0xae: {  	_ =	sdelay $0x1  }
0xaf: {  	v5 =	vxor.u32 $0x80000000, v4  }
0xb0: {  	(xrf1) =	vsort.dscd.msk.u32 $0xffff, v5, v4  }
0xb1: {  	_ =	sdelay $0xc  }
0xb2: {  	v4, _, _ =	vpop (xrf1)  }
0xb3: {  	v4 =	vxor.u32 $0x80000000, v4  }
0xb4: {  	[tilespmem:$0x2028] =	vst v4  }
0xb5: {  	v4 =	vld [tilespmem:$0x2020];
	_ =	sdelay $0x4  }
0xb6: {  	v5 =	vand.u32 $0xFFFFFFC0, v4  }
0xb7: {  	s14 =	sshra.s32 s14, $0x2;
	v6 =	vandn.u32 $0x3F, v4;
	vm0 =	vlt.s32 v4, $0x0;
	v7 =	vxor.u32 $0x7FFFFFFF, v5  }
0xb8: {  	[tilespmem:s14+$0x2480] =	vst v6;
	v4 =	vsel vm0, v7, v5  }
0xb9: {  	s30 =	sadd.s32 s1, s13;
	[tilespmem:s14+$0x2080] =	vst v4  }
0xba: {  	[hbm4b:s30+s2] =	stream.linear.scatter [tilespmem:s9], [sflag:$0x1], $0x400, $0x38;
	[tilespmem:$0x2880] =	vst v63  }
0xbb: {  	s12 =	sadd.s32 $0x1, s12;
	_ =	swait.ge [sflag:s8], $0x400  }
0xbc: {  	p0 =	sne.s32 s12, $0x8;
	[sflag:s8] =	ssyncset.done $0x0  }
.Ltmp1:
0xbd: {  	s31 =	sadd.s32 s5, s13;
	[sflag:s8] =	ssyncadd.s32 $0xFFFFFC00;
	(pc) =	sbr.rel @p0 .LBB2_2-.Ltmp1, $4  }
0xbe: {  	[hbm4b:s31+s2] =	stream.linear.scatter [tilespmem:s10], [sflag:$0x1], $0x400, $0x38;
	[tilespmem:$0x2880] =	vst v63  }
0xbf: {  	_ =	swait.ge [sflag:s8], $0x400  }
0xc0: {  	[sflag:s8] =	ssyncset.done $0x0  }
0xc1: {  	[sflag:s8] =	ssyncadd.s32 $0xFFFFFC00  }
0xc2: {  	s11 =	sadd.s32 $0x1, s11  }
0xc3: {  	p0 =	sne.s32 s11, s7  }
.Ltmp2:
0xc4: {  	_ = 	snop;
	(pc) =	sbr.rel @p0 .LBB2_1-.Ltmp2, $1  }
0xc5: {  	_ =	sdelay $0x3  }
0xc6: {  	_ =	sfence.sel $0x180000  }
0xc7: {  	[bflag:$0x0] =	sbarrier.arrive $0xFFFF  }
0xc8: {  	p0 =	sne.s32 s3, $0x0;
	_ =	strace $0x90000047  }
0xc9: {  	s0 =	sadd.s32 @!p0 $0x100000, s0;
	[bflag:$0x2] =	sbarrier.arrive $0xFFFF  }
0xca: {  	[sflag:s0] =	ssyncadd.tile.s32 @!p0 $0x1;
	_ =	shalt  }
.Lfunc_end2:
_tile_overlayer_lowered:
.L_overlay_start_2:
0xcb: {  	(tag) =	ssettag $0x2  }
0xcc: {  	s0 =	rddreg [dreg:$0x0];
	s2 =	stileid.u32  }
0xcd: {  	s1 =	rddreg [dreg:$0x1];
	p0 =	sne.s32 s2, $0x0  }
0xce: {  	s3 =	rddreg [dreg:$0x2];
	[bflag:$0x3] =	sbarrier.arrive $0xFFFF;
	s2 =	simm.s32 @!p0 $0x1C01  }
0xcf: {  	[timem:s3], [sflag:s2] =	dma.local @!p0 [hbm:s0], s1  }
0xd0: {  	s0 =	simm.s32 @!p0 $0x1  }
0xd1: {  	_ =	swait.ge @!p0 [sflag:s0], s1  }
0xd2: {  	s1 =	ssub.s32 @!p0 $0x0, s1;
	[sflag:s0] =	ssyncset.done @!p0 $0x0  }
0xd3: {  	[sflag:s0] =	ssyncadd.s32 @!p0 s1  }
0xd4: {  	[bflag:$0x3] =	sbarrier.arrive $0xFFFF  }
0xd5: {  	_ =	shalt  }

</sc_bundles>
